<compile_context>
chip_gen: v7x
topology: tpu7x:2x2x1
jax: 0.10.2.dev20260603
libtpu: 0.0.44.dev20260713+nightly
codegen_flags: <defaults>
</compile_context>

<pallas_src>
import functools

import jax
import jax.numpy as jnp
from jax import lax
from jax.experimental import pallas as pl
from jax.experimental.pallas import tpu as pltpu
from jax.experimental.pallas import tpu_sc as plsc

N_COMPONENTS = 1024
EMBEDDING_DIM = 64
BETA = 0.25

_NC = 2
_NS = 16
_NW = _NC * _NS


def _vq_block(x_ref, cb_ref, sc_ref, idx_ref, loss_ref, c2_ref):
    i = pl.program_id(0)
    x = x_ref[0]
    cb = cb_ref[...]

    @pl.when(i == 0)
    def _prep():
        c2_ref[...] = jnp.sum(cb * cb, axis=0, keepdims=True)

    sim = jnp.dot(x, cb, preferred_element_type=jnp.float32)
    x2 = jnp.sum(x * x, axis=1, keepdims=True)
    d = x2 + c2_ref[...] - 2.0 * sim
    r = 1.0 / d
    inv = r * r
    rows = jnp.sum(inv, axis=1, keepdims=True)
    imax = jnp.max(inv, axis=1, keepdims=True)
    sc_ref[...] = inv * (1.0 / rows)
    idx = jnp.argmin(d, axis=1).astype(jnp.int32)
    idx_ref[...] = idx.reshape(1, 1, idx.shape[0])
    part = jnp.sum(jax.lax.rsqrt(imax)).reshape(1, 1)

    @pl.when(i == 0)
    def _init():
        loss_ref[...] = jnp.zeros((1, 1), jnp.float32)

    loss_ref[...] += part


def _gather_body(t, rows_per_worker):
    chunks = []
    off = 0
    while off < t:
        w = min(128, t - off)
        chunks.append((off, w))
        off += w

    def body(cbt_hbm, idx_hbm, q_hbm, idx_v, rows_v, sem):
        w = lax.axis_index("s") * _NC + lax.axis_index("c")
        for j in range(rows_per_worker):
            row = w * rows_per_worker + j
            pltpu.sync_copy(idx_hbm.at[row], idx_v)
            cps = [
                pltpu.async_copy(
                    cbt_hbm.at[idx_v.at[pl.ds(off, width)]],
                    rows_v.at[pl.ds(off, width)],
                    sem,
                )
                for off, width in chunks
            ]
            for cp in cps:
                cp.wait()
            pltpu.sync_copy(rows_v, q_hbm.at[row])

    return body


@jax.jit
def kernel(x, codebook):
    b, t, _ = x.shape
    n = b * t
    sc, idx3, loss = pl.pallas_call(
        _vq_block,
        grid=(b,),
        in_specs=[
            pl.BlockSpec((1, t, EMBEDDING_DIM), lambda i: (i, 0, 0)),
            pl.BlockSpec((EMBEDDING_DIM, N_COMPONENTS), lambda i: (0, 0)),
        ],
        out_specs=[
            pl.BlockSpec((t, N_COMPONENTS), lambda i: (i, 0)),
            pl.BlockSpec((1, 1, t), lambda i: (i, 0, 0)),
            pl.BlockSpec((1, 1), lambda i: (0, 0)),
        ],
        out_shape=[
            jax.ShapeDtypeStruct((n, N_COMPONENTS), jnp.float32),
            jax.ShapeDtypeStruct((b, 1, t), jnp.int32),
            jax.ShapeDtypeStruct((1, 1), jnp.float32),
        ],
        scratch_shapes=[pltpu.VMEM((1, N_COMPONENTS), jnp.float32)],
    )(x, codebook)

    idx2 = idx3.reshape(b, t)
    cbt = codebook.T
    mesh = plsc.VectorSubcoreMesh(core_axis_name="c", subcore_axis_name="s",
                                  num_cores=_NC, num_subcores=_NS)
    rows_per_worker = b // _NW
    gather = pl.kernel(
        _gather_body(t, rows_per_worker),
        out_type=jax.ShapeDtypeStruct((b, t, EMBEDDING_DIM), jnp.float32),
        mesh=mesh,
        scratch_types=[
            pltpu.VMEM((t,), jnp.int32),
            pltpu.VMEM((t, EMBEDDING_DIM), jnp.float32),
            pltpu.SemaphoreType.DMA,
        ],
        compiler_params=pltpu.CompilerParams(use_tc_tiling_on_sc=False),
    )
    q = gather(cbt, idx2)
    vq_loss = (1.0 + BETA) * loss[0, 0] / (n * EMBEDDING_DIM)
    return q, sc, vq_loss

# --- scband reference (transcript-rebuilt; emitter-appended) ---
"""Pipeline reference for scband-vector-quantizer-pt-21869973471295 (READ-ONLY COPY).

The authoritative reference and input builder live on the scoring server;
editing this copy changes nothing except your own understanding.
"""

import jax, jax.numpy as jnp
import numpy as np

N_COMPONENTS = 1024
EMBEDDING_DIM = 64
BETA = 0.25


def setup_inputs(seed: int = 0) -> dict:
    key = jax.random.key(seed)
    k1, k2 = jax.random.split(key)
    x = jax.random.normal(k1, (64, 576, EMBEDDING_DIM), dtype=jnp.float32)
    # codebook parameter: shape (embedding_dim, n_components), uniform(0, 1) init as in torch module
    codebook = jax.random.uniform(k2, (EMBEDDING_DIM, N_COMPONENTS), dtype=jnp.float32, minval=0.0, maxval=1.0)
    return {"x": x, "codebook": codebook}


def get_code_indices(flattened, codebook, return_soft_counts=False):
    similarity = jnp.matmul(flattened, codebook)
    distances = (jnp.sum(flattened ** 2, axis=1, keepdims=True)
                 + jnp.sum(codebook ** 2, axis=0)
                 - 2.0 * similarity)
    if return_soft_counts:
        sim = (1.0 / distances) ** 2
        soft_counts = sim / jnp.sum(sim, axis=1, keepdims=True)
        return soft_counts
    encoding_indices = jnp.argmin(distances, axis=1)
    return encoding_indices


def reference(x, codebook):
    input_shape = x.shape
    flattened = x.reshape(-1, EMBEDDING_DIM)
    # kmeans_loss = 0.0 -> kmeans branch skipped
    encoding_indices = get_code_indices(flattened, codebook, return_soft_counts=False).astype(jnp.int32)
    soft_counts = get_code_indices(flattened, codebook, return_soft_counts=True)
    encodings = jax.nn.one_hot(encoding_indices, N_COMPONENTS, dtype=jnp.float32)
    quantized = jnp.matmul(encodings, codebook.T)
    quantized = quantized.reshape(input_shape)
    commitment_loss = BETA * jnp.mean((jax.lax.stop_gradient(quantized) - x) ** 2)
    codebook_loss = jnp.mean((quantized - jax.lax.stop_gradient(x)) ** 2)
    vq_loss = commitment_loss + codebook_loss
    return quantized, soft_counts, vq_loss

if __name__ == "__main__":
    import jax
    _d = setup_inputs()
    print(jax.jit(kernel)(*tuple(_d.values())))

</pallas_src>

<mosaic_0001>
#map = affine_map<(d0, d1) -> (0, 0)>
#map1 = affine_map<(d0, d1) -> (0, 0, 0)>
module attributes {stable_mosaic.version = 14 : i64} {
  func.func @body(%arg0: i32, %arg1: i32, %arg2: memref<1024x64xf32, #tpu.memory_space<hbm>>, %arg3: memref<64x576xi32, #tpu.memory_space<hbm>>, %arg4: memref<64x576x64xf32, #tpu.memory_space<hbm>>, %arg5: memref<576xi32, #tpu.memory_space<vmem>>, %arg6: memref<576x64xf32, #tpu.memory_space<vmem>>, %arg7: memref<!tpu.dma_semaphore, #tpu.memory_space<semaphore_mem>>) attributes {dimension_semantics = [#tpu.dimension_semantics<core_parallel>, #tpu.dimension_semantics<subcore_parallel>], iteration_bounds = array<i64: 2, 16>, scalar_prefetch = 0 : i64, scratch_operands = 3 : i64, tpu.core_type = #tpu.core_type<sc_vector_subcore>, window_params = [{transform_indices = #map}, {transform_indices = #map}, {transform_indices = #map1}]} {
    %mul3A = arith.constant 2 : i32
    %mul3A_0 = arith.muli %arg1, %mul3A : i32
    %add3A = arith.addi %mul3A_0, %arg0 : i32
    %mul3A_1 = arith.constant 2 : i32
    %mul3A_2 = arith.muli %add3A, %mul3A_1 : i32
    %add3A_3 = arith.constant 0 : i32
    %add3A_4 = arith.addi %mul3A_2, %add3A_3 : i32
    "tpu.region"() ({
      %run_scoped3A = tpu.sem_alloc : memref<!tpu.dma_semaphore, #tpu.memory_space<semaphore_mem>>
      %dma_start3A_167 = arith.constant 0 : i32
      %dma_start3A_168 = tpu.memref_slice %arg3[%add3A_4, %dma_start3A_167] : memref<64x576xi32, #tpu.memory_space<hbm>> -> memref<1x576xi32, #tpu.memory_space<hbm>>
      %dma_start3A_169 = tpu.memref_squeeze %dma_start3A_168 : memref<1x576xi32, #tpu.memory_space<hbm>> -> memref<576xi32, #tpu.memory_space<hbm>>
      %dma_start3A_170 = arith.constant 0 : i32
      %dma_start3A_171 = tpu.memref_slice %arg3[%add3A_4, %dma_start3A_170] : memref<64x576xi32, #tpu.memory_space<hbm>> -> memref<1x576xi32, #tpu.memory_space<hbm>>
      %dma_start3A_172 = tpu.memref_squeeze %dma_start3A_171 : memref<1x576xi32, #tpu.memory_space<hbm>> -> memref<576xi32, #tpu.memory_space<hbm>>
      tpu.enqueue_dma source(%dma_start3A_172 : memref<576xi32, #tpu.memory_space<hbm>>) target(%arg5 : memref<576xi32, #tpu.memory_space<vmem>>) target_semaphore(%run_scoped3A : memref<!tpu.dma_semaphore, #tpu.memory_space<semaphore_mem>>)
      %dma_wait3A_173 = arith.constant 0 : i32
      %dma_wait3A_174 = tpu.memref_slice %arg3[%add3A_4, %dma_wait3A_173] : memref<64x576xi32, #tpu.memory_space<hbm>> -> memref<1x576xi32, #tpu.memory_space<hbm>>
      %dma_wait3A_175 = tpu.memref_squeeze %dma_wait3A_174 : memref<1x576xi32, #tpu.memory_space<hbm>> -> memref<576xi32, #tpu.memory_space<hbm>>
      %dma_wait3A_176 = arith.constant 0 : i32
      %dma_wait3A_177 = tpu.memref_slice %arg3[%add3A_4, %dma_wait3A_176] : memref<64x576xi32, #tpu.memory_space<hbm>> -> memref<1x576xi32, #tpu.memory_space<hbm>>
      %dma_wait3A_178 = tpu.memref_squeeze %dma_wait3A_177 : memref<1x576xi32, #tpu.memory_space<hbm>> -> memref<576xi32, #tpu.memory_space<hbm>>
      tpu.wait_dma2 semaphore(%run_scoped3A : memref<!tpu.dma_semaphore, #tpu.memory_space<semaphore_mem>>) src(%dma_wait3A_178 : memref<576xi32, #tpu.memory_space<hbm>>) dst(%arg5 : memref<576xi32, #tpu.memory_space<vmem>>)
      tpu.yield
    }) : () -> ()
    %dma_start3A = arith.constant 0 : i32
    %dma_start3A_5 = arith.constant 0 : i32
    %dma_start3A_6 = tpu.memref_slice %arg6[%dma_start3A, %dma_start3A_5] : memref<576x64xf32, #tpu.memory_space<vmem>> -> memref<128x64xf32, #tpu.memory_space<vmem>>
    %dma_start3A_7 = arith.constant 0 : i32
    %dma_start3A_8 = tpu.memref_slice %arg5[%dma_start3A_7] : memref<576xi32, #tpu.memory_space<vmem>> -> memref<128xi32, #tpu.memory_space<vmem>>
    %dma_start3A_9 = arith.constant 0 : i32
    %dma_start3A_10 = arith.constant 0 : i32
    %dma_start3A_11 = tpu.memref_slice %arg2[%dma_start3A_9, %dma_start3A_10] : memref<1024x64xf32, #tpu.memory_space<hbm>> -> memref<1024x64xf32, #tpu.memory_space<hbm>>
    tpu.enqueue_indirect_dma source(%dma_start3A_11 : memref<1024x64xf32, #tpu.memory_space<hbm>>) target(%dma_start3A_6 : memref<128x64xf32, #tpu.memory_space<vmem>>) offsets(%dma_start3A_8 : memref<128xi32, #tpu.memory_space<vmem>>) semaphore(%arg7 : memref<!tpu.dma_semaphore, #tpu.memory_space<semaphore_mem>>)
    %dma_start3A_12 = arith.constant 128 : i32
    %dma_start3A_13 = arith.constant 0 : i32
    %dma_start3A_14 = tpu.memref_slice %arg6[%dma_start3A_12, %dma_start3A_13] : memref<576x64xf32, #tpu.memory_space<vmem>> -> memref<128x64xf32, #tpu.memory_space<vmem>>
    %dma_start3A_15 = arith.constant 128 : i32
    %dma_start3A_16 = tpu.memref_slice %arg5[%dma_start3A_15] : memref<576xi32, #tpu.memory_space<vmem>> -> memref<128xi32, #tpu.memory_space<vmem>>
    %dma_start3A_17 = arith.constant 0 : i32
    %dma_start3A_18 = arith.constant 0 : i32
    %dma_start3A_19 = tpu.memref_slice %arg2[%dma_start3A_17, %dma_start3A_18] : memref<1024x64xf32, #tpu.memory_space<hbm>> -> memref<1024x64xf32, #tpu.memory_space<hbm>>
    tpu.enqueue_indirect_dma source(%dma_start3A_19 : memref<1024x64xf32, #tpu.memory_space<hbm>>) target(%dma_start3A_14 : memref<128x64xf32, #tpu.memory_space<vmem>>) offsets(%dma_start3A_16 : memref<128xi32, #tpu.memory_space<vmem>>) semaphore(%arg7 : memref<!tpu.dma_semaphore, #tpu.memory_space<semaphore_mem>>)
    %dma_start3A_20 = arith.constant 256 : i32
    %dma_start3A_21 = arith.constant 0 : i32
    %dma_start3A_22 = tpu.memref_slice %arg6[%dma_start3A_20, %dma_start3A_21] : memref<576x64xf32, #tpu.memory_space<vmem>> -> memref<128x64xf32, #tpu.memory_space<vmem>>
    %dma_start3A_23 = arith.constant 256 : i32
    %dma_start3A_24 = tpu.memref_slice %arg5[%dma_start3A_23] : memref<576xi32, #tpu.memory_space<vmem>> -> memref<128xi32, #tpu.memory_space<vmem>>
    %dma_start3A_25 = arith.constant 0 : i32
    %dma_start3A_26 = arith.constant 0 : i32
    %dma_start3A_27 = tpu.memref_slice %arg2[%dma_start3A_25, %dma_start3A_26] : memref<1024x64xf32, #tpu.memory_space<hbm>> -> memref<1024x64xf32, #tpu.memory_space<hbm>>
    tpu.enqueue_indirect_dma source(%dma_start3A_27 : memref<1024x64xf32, #tpu.memory_space<hbm>>) target(%dma_start3A_22 : memref<128x64xf32, #tpu.memory_space<vmem>>) offsets(%dma_start3A_24 : memref<128xi32, #tpu.memory_space<vmem>>) semaphore(%arg7 : memref<!tpu.dma_semaphore, #tpu.memory_space<semaphore_mem>>)
    %dma_start3A_28 = arith.constant 384 : i32
    %dma_start3A_29 = arith.constant 0 : i32
    %dma_start3A_30 = tpu.memref_slice %arg6[%dma_start3A_28, %dma_start3A_29] : memref<576x64xf32, #tpu.memory_space<vmem>> -> memref<128x64xf32, #tpu.memory_space<vmem>>
    %dma_start3A_31 = arith.constant 384 : i32
    %dma_start3A_32 = tpu.memref_slice %arg5[%dma_start3A_31] : memref<576xi32, #tpu.memory_space<vmem>> -> memref<128xi32, #tpu.memory_space<vmem>>
    %dma_start3A_33 = arith.constant 0 : i32
    %dma_start3A_34 = arith.constant 0 : i32
    %dma_start3A_35 = tpu.memref_slice %arg2[%dma_start3A_33, %dma_start3A_34] : memref<1024x64xf32, #tpu.memory_space<hbm>> -> memref<1024x64xf32, #tpu.memory_space<hbm>>
    tpu.enqueue_indirect_dma source(%dma_start3A_35 : memref<1024x64xf32, #tpu.memory_space<hbm>>) target(%dma_start3A_30 : memref<128x64xf32, #tpu.memory_space<vmem>>) offsets(%dma_start3A_32 : memref<128xi32, #tpu.memory_space<vmem>>) semaphore(%arg7 : memref<!tpu.dma_semaphore, #tpu.memory_space<semaphore_mem>>)
    %dma_start3A_36 = arith.constant 512 : i32
    %dma_start3A_37 = arith.constant 0 : i32
    %dma_start3A_38 = tpu.memref_slice %arg6[%dma_start3A_36, %dma_start3A_37] : memref<576x64xf32, #tpu.memory_space<vmem>> -> memref<64x64xf32, #tpu.memory_space<vmem>>
    %dma_start3A_39 = arith.constant 512 : i32
    %dma_start3A_40 = tpu.memref_slice %arg5[%dma_start3A_39] : memref<576xi32, #tpu.memory_space<vmem>> -> memref<64xi32, #tpu.memory_space<vmem>>
    %dma_start3A_41 = arith.constant 0 : i32
    %dma_start3A_42 = arith.constant 0 : i32
    %dma_start3A_43 = tpu.memref_slice %arg2[%dma_start3A_41, %dma_start3A_42] : memref<1024x64xf32, #tpu.memory_space<hbm>> -> memref<1024x64xf32, #tpu.memory_space<hbm>>
    tpu.enqueue_indirect_dma source(%dma_start3A_43 : memref<1024x64xf32, #tpu.memory_space<hbm>>) target(%dma_start3A_38 : memref<64x64xf32, #tpu.memory_space<vmem>>) offsets(%dma_start3A_40 : memref<64xi32, #tpu.memory_space<vmem>>) semaphore(%arg7 : memref<!tpu.dma_semaphore, #tpu.memory_space<semaphore_mem>>)
    %dma_wait3A = arith.constant 0 : i32
    %dma_wait3A_44 = arith.constant 0 : i32
    %dma_wait3A_45 = tpu.memref_slice %arg6[%dma_wait3A, %dma_wait3A_44] : memref<576x64xf32, #tpu.memory_space<vmem>> -> memref<128x64xf32, #tpu.memory_space<vmem>>
    %dma_wait3A_46 = arith.constant 0 : i32
    %dma_wait3A_47 = tpu.memref_slice %arg5[%dma_wait3A_46] : memref<576xi32, #tpu.memory_space<vmem>> -> memref<128xi32, #tpu.memory_space<vmem>>
    %dma_wait3A_48 = arith.constant 0 : i32
    %dma_wait3A_49 = arith.constant 0 : i32
    %dma_wait3A_50 = tpu.memref_slice %arg2[%dma_wait3A_48, %dma_wait3A_49] : memref<1024x64xf32, #tpu.memory_space<hbm>> -> memref<1024x64xf32, #tpu.memory_space<hbm>>
    tpu.wait_indirect_dma semaphore(%arg7 : memref<!tpu.dma_semaphore, #tpu.memory_space<semaphore_mem>>) src(%dma_wait3A_50 : memref<1024x64xf32, #tpu.memory_space<hbm>>) dst(%dma_wait3A_45 : memref<128x64xf32, #tpu.memory_space<vmem>>)
    %dma_wait3A_51 = arith.constant 128 : i32
    %dma_wait3A_52 = arith.constant 0 : i32
    %dma_wait3A_53 = tpu.memref_slice %arg6[%dma_wait3A_51, %dma_wait3A_52] : memref<576x64xf32, #tpu.memory_space<vmem>> -> memref<128x64xf32, #tpu.memory_space<vmem>>
    %dma_wait3A_54 = arith.constant 128 : i32
    %dma_wait3A_55 = tpu.memref_slice %arg5[%dma_wait3A_54] : memref<576xi32, #tpu.memory_space<vmem>> -> memref<128xi32, #tpu.memory_space<vmem>>
    %dma_wait3A_56 = arith.constant 0 : i32
    %dma_wait3A_57 = arith.constant 0 : i32
    %dma_wait3A_58 = tpu.memref_slice %arg2[%dma_wait3A_56, %dma_wait3A_57] : memref<1024x64xf32, #tpu.memory_space<hbm>> -> memref<1024x64xf32, #tpu.memory_space<hbm>>
    tpu.wait_indirect_dma semaphore(%arg7 : memref<!tpu.dma_semaphore, #tpu.memory_space<semaphore_mem>>) src(%dma_wait3A_58 : memref<1024x64xf32, #tpu.memory_space<hbm>>) dst(%dma_wait3A_53 : memref<128x64xf32, #tpu.memory_space<vmem>>)
    %dma_wait3A_59 = arith.constant 256 : i32
    %dma_wait3A_60 = arith.constant 0 : i32
    %dma_wait3A_61 = tpu.memref_slice %arg6[%dma_wait3A_59, %dma_wait3A_60] : memref<576x64xf32, #tpu.memory_space<vmem>> -> memref<128x64xf32, #tpu.memory_space<vmem>>
    %dma_wait3A_62 = arith.constant 256 : i32
    %dma_wait3A_63 = tpu.memref_slice %arg5[%dma_wait3A_62] : memref<576xi32, #tpu.memory_space<vmem>> -> memref<128xi32, #tpu.memory_space<vmem>>
    %dma_wait3A_64 = arith.constant 0 : i32
    %dma_wait3A_65 = arith.constant 0 : i32
    %dma_wait3A_66 = tpu.memref_slice %arg2[%dma_wait3A_64, %dma_wait3A_65] : memref<1024x64xf32, #tpu.memory_space<hbm>> -> memref<1024x64xf32, #tpu.memory_space<hbm>>
    tpu.wait_indirect_dma semaphore(%arg7 : memref<!tpu.dma_semaphore, #tpu.memory_space<semaphore_mem>>) src(%dma_wait3A_66 : memref<1024x64xf32, #tpu.memory_space<hbm>>) dst(%dma_wait3A_61 : memref<128x64xf32, #tpu.memory_space<vmem>>)
    %dma_wait3A_67 = arith.constant 384 : i32
    %dma_wait3A_68 = arith.constant 0 : i32
    %dma_wait3A_69 = tpu.memref_slice %arg6[%dma_wait3A_67, %dma_wait3A_68] : memref<576x64xf32, #tpu.memory_space<vmem>> -> memref<128x64xf32, #tpu.memory_space<vmem>>
    %dma_wait3A_70 = arith.constant 384 : i32
    %dma_wait3A_71 = tpu.memref_slice %arg5[%dma_wait3A_70] : memref<576xi32, #tpu.memory_space<vmem>> -> memref<128xi32, #tpu.memory_space<vmem>>
    %dma_wait3A_72 = arith.constant 0 : i32
    %dma_wait3A_73 = arith.constant 0 : i32
    %dma_wait3A_74 = tpu.memref_slice %arg2[%dma_wait3A_72, %dma_wait3A_73] : memref<1024x64xf32, #tpu.memory_space<hbm>> -> memref<1024x64xf32, #tpu.memory_space<hbm>>
    tpu.wait_indirect_dma semaphore(%arg7 : memref<!tpu.dma_semaphore, #tpu.memory_space<semaphore_mem>>) src(%dma_wait3A_74 : memref<1024x64xf32, #tpu.memory_space<hbm>>) dst(%dma_wait3A_69 : memref<128x64xf32, #tpu.memory_space<vmem>>)
    %dma_wait3A_75 = arith.constant 512 : i32
    %dma_wait3A_76 = arith.constant 0 : i32
    %dma_wait3A_77 = tpu.memref_slice %arg6[%dma_wait3A_75, %dma_wait3A_76] : memref<576x64xf32, #tpu.memory_space<vmem>> -> memref<64x64xf32, #tpu.memory_space<vmem>>
    %dma_wait3A_78 = arith.constant 512 : i32
    %dma_wait3A_79 = tpu.memref_slice %arg5[%dma_wait3A_78] : memref<576xi32, #tpu.memory_space<vmem>> -> memref<64xi32, #tpu.memory_space<vmem>>
    %dma_wait3A_80 = arith.constant 0 : i32
    %dma_wait3A_81 = arith.constant 0 : i32
    %dma_wait3A_82 = tpu.memref_slice %arg2[%dma_wait3A_80, %dma_wait3A_81] : memref<1024x64xf32, #tpu.memory_space<hbm>> -> memref<1024x64xf32, #tpu.memory_space<hbm>>
    tpu.wait_indirect_dma semaphore(%arg7 : memref<!tpu.dma_semaphore, #tpu.memory_space<semaphore_mem>>) src(%dma_wait3A_82 : memref<1024x64xf32, #tpu.memory_space<hbm>>) dst(%dma_wait3A_77 : memref<64x64xf32, #tpu.memory_space<vmem>>)
    "tpu.region"() ({
      %run_scoped3A = tpu.sem_alloc : memref<!tpu.dma_semaphore, #tpu.memory_space<semaphore_mem>>
      %dma_start3A_167 = arith.constant 0 : i32
      %dma_start3A_168 = arith.constant 0 : i32
      %dma_start3A_169 = tpu.memref_slice %arg4[%add3A_4, %dma_start3A_167, %dma_start3A_168] : memref<64x576x64xf32, #tpu.memory_space<hbm>> -> memref<1x576x64xf32, #tpu.memory_space<hbm>>
      %dma_start3A_170 = tpu.memref_squeeze %dma_start3A_169 : memref<1x576x64xf32, #tpu.memory_space<hbm>> -> memref<576x64xf32, #tpu.memory_space<hbm>>
      %dma_start3A_171 = arith.constant 0 : i32
      %dma_start3A_172 = arith.constant 0 : i32
      %dma_start3A_173 = tpu.memref_slice %arg4[%add3A_4, %dma_start3A_171, %dma_start3A_172] : memref<64x576x64xf32, #tpu.memory_space<hbm>> -> memref<1x576x64xf32, #tpu.memory_space<hbm>>
      %dma_start3A_174 = tpu.memref_squeeze %dma_start3A_173 : memref<1x576x64xf32, #tpu.memory_space<hbm>> -> memref<576x64xf32, #tpu.memory_space<hbm>>
      tpu.enqueue_dma source(%arg6 : memref<576x64xf32, #tpu.memory_space<vmem>>) target(%dma_start3A_174 : memref<576x64xf32, #tpu.memory_space<hbm>>) target_semaphore(%run_scoped3A : memref<!tpu.dma_semaphore, #tpu.memory_space<semaphore_mem>>)
      %dma_wait3A_175 = arith.constant 0 : i32
      %dma_wait3A_176 = arith.constant 0 : i32
      %dma_wait3A_177 = tpu.memref_slice %arg4[%add3A_4, %dma_wait3A_175, %dma_wait3A_176] : memref<64x576x64xf32, #tpu.memory_space<hbm>> -> memref<1x576x64xf32, #tpu.memory_space<hbm>>
      %dma_wait3A_178 = tpu.memref_squeeze %dma_wait3A_177 : memref<1x576x64xf32, #tpu.memory_space<hbm>> -> memref<576x64xf32, #tpu.memory_space<hbm>>
      %dma_wait3A_179 = arith.constant 0 : i32
      %dma_wait3A_180 = arith.constant 0 : i32
      %dma_wait3A_181 = tpu.memref_slice %arg4[%add3A_4, %dma_wait3A_179, %dma_wait3A_180] : memref<64x576x64xf32, #tpu.memory_space<hbm>> -> memref<1x576x64xf32, #tpu.memory_space<hbm>>
      %dma_wait3A_182 = tpu.memref_squeeze %dma_wait3A_181 : memref<1x576x64xf32, #tpu.memory_space<hbm>> -> memref<576x64xf32, #tpu.memory_space<hbm>>
      tpu.wait_dma2 semaphore(%run_scoped3A : memref<!tpu.dma_semaphore, #tpu.memory_space<semaphore_mem>>) src(%arg6 : memref<576x64xf32, #tpu.memory_space<vmem>>) dst(%dma_wait3A_182 : memref<576x64xf32, #tpu.memory_space<hbm>>)
      tpu.yield
    }) : () -> ()
    %mul3A_83 = arith.constant 2 : i32
    %mul3A_84 = arith.muli %add3A, %mul3A_83 : i32
    %add3A_85 = arith.constant 1 : i32
    %add3A_86 = arith.addi %mul3A_84, %add3A_85 : i32
    "tpu.region"() ({
      %run_scoped3A = tpu.sem_alloc : memref<!tpu.dma_semaphore, #tpu.memory_space<semaphore_mem>>
      %dma_start3A_167 = arith.constant 0 : i32
      %dma_start3A_168 = tpu.memref_slice %arg3[%add3A_86, %dma_start3A_167] : memref<64x576xi32, #tpu.memory_space<hbm>> -> memref<1x576xi32, #tpu.memory_space<hbm>>
      %dma_start3A_169 = tpu.memref_squeeze %dma_start3A_168 : memref<1x576xi32, #tpu.memory_space<hbm>> -> memref<576xi32, #tpu.memory_space<hbm>>
      %dma_start3A_170 = arith.constant 0 : i32
      %dma_start3A_171 = tpu.memref_slice %arg3[%add3A_86, %dma_start3A_170] : memref<64x576xi32, #tpu.memory_space<hbm>> -> memref<1x576xi32, #tpu.memory_space<hbm>>
      %dma_start3A_172 = tpu.memref_squeeze %dma_start3A_171 : memref<1x576xi32, #tpu.memory_space<hbm>> -> memref<576xi32, #tpu.memory_space<hbm>>
      tpu.enqueue_dma source(%dma_start3A_172 : memref<576xi32, #tpu.memory_space<hbm>>) target(%arg5 : memref<576xi32, #tpu.memory_space<vmem>>) target_semaphore(%run_scoped3A : memref<!tpu.dma_semaphore, #tpu.memory_space<semaphore_mem>>)
      %dma_wait3A_173 = arith.constant 0 : i32
      %dma_wait3A_174 = tpu.memref_slice %arg3[%add3A_86, %dma_wait3A_173] : memref<64x576xi32, #tpu.memory_space<hbm>> -> memref<1x576xi32, #tpu.memory_space<hbm>>
      %dma_wait3A_175 = tpu.memref_squeeze %dma_wait3A_174 : memref<1x576xi32, #tpu.memory_space<hbm>> -> memref<576xi32, #tpu.memory_space<hbm>>
      %dma_wait3A_176 = arith.constant 0 : i32
      %dma_wait3A_177 = tpu.memref_slice %arg3[%add3A_86, %dma_wait3A_176] : memref<64x576xi32, #tpu.memory_space<hbm>> -> memref<1x576xi32, #tpu.memory_space<hbm>>
      %dma_wait3A_178 = tpu.memref_squeeze %dma_wait3A_177 : memref<1x576xi32, #tpu.memory_space<hbm>> -> memref<576xi32, #tpu.memory_space<hbm>>
      tpu.wait_dma2 semaphore(%run_scoped3A : memref<!tpu.dma_semaphore, #tpu.memory_space<semaphore_mem>>) src(%dma_wait3A_178 : memref<576xi32, #tpu.memory_space<hbm>>) dst(%arg5 : memref<576xi32, #tpu.memory_space<vmem>>)
      tpu.yield
    }) : () -> ()
    %dma_start3A_87 = arith.constant 0 : i32
    %dma_start3A_88 = arith.constant 0 : i32
    %dma_start3A_89 = tpu.memref_slice %arg6[%dma_start3A_87, %dma_start3A_88] : memref<576x64xf32, #tpu.memory_space<vmem>> -> memref<128x64xf32, #tpu.memory_space<vmem>>
    %dma_start3A_90 = arith.constant 0 : i32
    %dma_start3A_91 = tpu.memref_slice %arg5[%dma_start3A_90] : memref<576xi32, #tpu.memory_space<vmem>> -> memref<128xi32, #tpu.memory_space<vmem>>
    %dma_start3A_92 = arith.constant 0 : i32
    %dma_start3A_93 = arith.constant 0 : i32
    %dma_start3A_94 = tpu.memref_slice %arg2[%dma_start3A_92, %dma_start3A_93] : memref<1024x64xf32, #tpu.memory_space<hbm>> -> memref<1024x64xf32, #tpu.memory_space<hbm>>
    tpu.enqueue_indirect_dma source(%dma_start3A_94 : memref<1024x64xf32, #tpu.memory_space<hbm>>) target(%dma_start3A_89 : memref<128x64xf32, #tpu.memory_space<vmem>>) offsets(%dma_start3A_91 : memref<128xi32, #tpu.memory_space<vmem>>) semaphore(%arg7 : memref<!tpu.dma_semaphore, #tpu.memory_space<semaphore_mem>>)
    %dma_start3A_95 = arith.constant 128 : i32
    %dma_start3A_96 = arith.constant 0 : i32
    %dma_start3A_97 = tpu.memref_slice %arg6[%dma_start3A_95, %dma_start3A_96] : memref<576x64xf32, #tpu.memory_space<vmem>> -> memref<128x64xf32, #tpu.memory_space<vmem>>
    %dma_start3A_98 = arith.constant 128 : i32
    %dma_start3A_99 = tpu.memref_slice %arg5[%dma_start3A_98] : memref<576xi32, #tpu.memory_space<vmem>> -> memref<128xi32, #tpu.memory_space<vmem>>
    %dma_start3A_100 = arith.constant 0 : i32
    %dma_start3A_101 = arith.constant 0 : i32
    %dma_start3A_102 = tpu.memref_slice %arg2[%dma_start3A_100, %dma_start3A_101] : memref<1024x64xf32, #tpu.memory_space<hbm>> -> memref<1024x64xf32, #tpu.memory_space<hbm>>
    tpu.enqueue_indirect_dma source(%dma_start3A_102 : memref<1024x64xf32, #tpu.memory_space<hbm>>) target(%dma_start3A_97 : memref<128x64xf32, #tpu.memory_space<vmem>>) offsets(%dma_start3A_99 : memref<128xi32, #tpu.memory_space<vmem>>) semaphore(%arg7 : memref<!tpu.dma_semaphore, #tpu.memory_space<semaphore_mem>>)
    %dma_start3A_103 = arith.constant 256 : i32
    %dma_start3A_104 = arith.constant 0 : i32
    %dma_start3A_105 = tpu.memref_slice %arg6[%dma_start3A_103, %dma_start3A_104] : memref<576x64xf32, #tpu.memory_space<vmem>> -> memref<128x64xf32, #tpu.memory_space<vmem>>
    %dma_start3A_106 = arith.constant 256 : i32
    %dma_start3A_107 = tpu.memref_slice %arg5[%dma_start3A_106] : memref<576xi32, #tpu.memory_space<vmem>> -> memref<128xi32, #tpu.memory_space<vmem>>
    %dma_start3A_108 = arith.constant 0 : i32
    %dma_start3A_109 = arith.constant 0 : i32
    %dma_start3A_110 = tpu.memref_slice %arg2[%dma_start3A_108, %dma_start3A_109] : memref<1024x64xf32, #tpu.memory_space<hbm>> -> memref<1024x64xf32, #tpu.memory_space<hbm>>
    tpu.enqueue_indirect_dma source(%dma_start3A_110 : memref<1024x64xf32, #tpu.memory_space<hbm>>) target(%dma_start3A_105 : memref<128x64xf32, #tpu.memory_space<vmem>>) offsets(%dma_start3A_107 : memref<128xi32, #tpu.memory_space<vmem>>) semaphore(%arg7 : memref<!tpu.dma_semaphore, #tpu.memory_space<semaphore_mem>>)
    %dma_start3A_111 = arith.constant 384 : i32
    %dma_start3A_112 = arith.constant 0 : i32
    %dma_start3A_113 = tpu.memref_slice %arg6[%dma_start3A_111, %dma_start3A_112] : memref<576x64xf32, #tpu.memory_space<vmem>> -> memref<128x64xf32, #tpu.memory_space<vmem>>
    %dma_start3A_114 = arith.constant 384 : i32
    %dma_start3A_115 = tpu.memref_slice %arg5[%dma_start3A_114] : memref<576xi32, #tpu.memory_space<vmem>> -> memref<128xi32, #tpu.memory_space<vmem>>
    %dma_start3A_116 = arith.constant 0 : i32
    %dma_start3A_117 = arith.constant 0 : i32
    %dma_start3A_118 = tpu.memref_slice %arg2[%dma_start3A_116, %dma_start3A_117] : memref<1024x64xf32, #tpu.memory_space<hbm>> -> memref<1024x64xf32, #tpu.memory_space<hbm>>
    tpu.enqueue_indirect_dma source(%dma_start3A_118 : memref<1024x64xf32, #tpu.memory_space<hbm>>) target(%dma_start3A_113 : memref<128x64xf32, #tpu.memory_space<vmem>>) offsets(%dma_start3A_115 : memref<128xi32, #tpu.memory_space<vmem>>) semaphore(%arg7 : memref<!tpu.dma_semaphore, #tpu.memory_space<semaphore_mem>>)
    %dma_start3A_119 = arith.constant 512 : i32
    %dma_start3A_120 = arith.constant 0 : i32
    %dma_start3A_121 = tpu.memref_slice %arg6[%dma_start3A_119, %dma_start3A_120] : memref<576x64xf32, #tpu.memory_space<vmem>> -> memref<64x64xf32, #tpu.memory_space<vmem>>
    %dma_start3A_122 = arith.constant 512 : i32
    %dma_start3A_123 = tpu.memref_slice %arg5[%dma_start3A_122] : memref<576xi32, #tpu.memory_space<vmem>> -> memref<64xi32, #tpu.memory_space<vmem>>
    %dma_start3A_124 = arith.constant 0 : i32
    %dma_start3A_125 = arith.constant 0 : i32
    %dma_start3A_126 = tpu.memref_slice %arg2[%dma_start3A_124, %dma_start3A_125] : memref<1024x64xf32, #tpu.memory_space<hbm>> -> memref<1024x64xf32, #tpu.memory_space<hbm>>
    tpu.enqueue_indirect_dma source(%dma_start3A_126 : memref<1024x64xf32, #tpu.memory_space<hbm>>) target(%dma_start3A_121 : memref<64x64xf32, #tpu.memory_space<vmem>>) offsets(%dma_start3A_123 : memref<64xi32, #tpu.memory_space<vmem>>) semaphore(%arg7 : memref<!tpu.dma_semaphore, #tpu.memory_space<semaphore_mem>>)
    %dma_wait3A_127 = arith.constant 0 : i32
    %dma_wait3A_128 = arith.constant 0 : i32
    %dma_wait3A_129 = tpu.memref_slice %arg6[%dma_wait3A_127, %dma_wait3A_128] : memref<576x64xf32, #tpu.memory_space<vmem>> -> memref<128x64xf32, #tpu.memory_space<vmem>>
    %dma_wait3A_130 = arith.constant 0 : i32
    %dma_wait3A_131 = tpu.memref_slice %arg5[%dma_wait3A_130] : memref<576xi32, #tpu.memory_space<vmem>> -> memref<128xi32, #tpu.memory_space<vmem>>
    %dma_wait3A_132 = arith.constant 0 : i32
    %dma_wait3A_133 = arith.constant 0 : i32
    %dma_wait3A_134 = tpu.memref_slice %arg2[%dma_wait3A_132, %dma_wait3A_133] : memref<1024x64xf32, #tpu.memory_space<hbm>> -> memref<1024x64xf32, #tpu.memory_space<hbm>>
    tpu.wait_indirect_dma semaphore(%arg7 : memref<!tpu.dma_semaphore, #tpu.memory_space<semaphore_mem>>) src(%dma_wait3A_134 : memref<1024x64xf32, #tpu.memory_space<hbm>>) dst(%dma_wait3A_129 : memref<128x64xf32, #tpu.memory_space<vmem>>)
    %dma_wait3A_135 = arith.constant 128 : i32
    %dma_wait3A_136 = arith.constant 0 : i32
    %dma_wait3A_137 = tpu.memref_slice %arg6[%dma_wait3A_135, %dma_wait3A_136] : memref<576x64xf32, #tpu.memory_space<vmem>> -> memref<128x64xf32, #tpu.memory_space<vmem>>
    %dma_wait3A_138 = arith.constant 128 : i32
    %dma_wait3A_139 = tpu.memref_slice %arg5[%dma_wait3A_138] : memref<576xi32, #tpu.memory_space<vmem>> -> memref<128xi32, #tpu.memory_space<vmem>>
    %dma_wait3A_140 = arith.constant 0 : i32
    %dma_wait3A_141 = arith.constant 0 : i32
    %dma_wait3A_142 = tpu.memref_slice %arg2[%dma_wait3A_140, %dma_wait3A_141] : memref<1024x64xf32, #tpu.memory_space<hbm>> -> memref<1024x64xf32, #tpu.memory_space<hbm>>
    tpu.wait_indirect_dma semaphore(%arg7 : memref<!tpu.dma_semaphore, #tpu.memory_space<semaphore_mem>>) src(%dma_wait3A_142 : memref<1024x64xf32, #tpu.memory_space<hbm>>) dst(%dma_wait3A_137 : memref<128x64xf32, #tpu.memory_space<vmem>>)
    %dma_wait3A_143 = arith.constant 256 : i32
    %dma_wait3A_144 = arith.constant 0 : i32
    %dma_wait3A_145 = tpu.memref_slice %arg6[%dma_wait3A_143, %dma_wait3A_144] : memref<576x64xf32, #tpu.memory_space<vmem>> -> memref<128x64xf32, #tpu.memory_space<vmem>>
    %dma_wait3A_146 = arith.constant 256 : i32
    %dma_wait3A_147 = tpu.memref_slice %arg5[%dma_wait3A_146] : memref<576xi32, #tpu.memory_space<vmem>> -> memref<128xi32, #tpu.memory_space<vmem>>
    %dma_wait3A_148 = arith.constant 0 : i32
    %dma_wait3A_149 = arith.constant 0 : i32
    %dma_wait3A_150 = tpu.memref_slice %arg2[%dma_wait3A_148, %dma_wait3A_149] : memref<1024x64xf32, #tpu.memory_space<hbm>> -> memref<1024x64xf32, #tpu.memory_space<hbm>>
    tpu.wait_indirect_dma semaphore(%arg7 : memref<!tpu.dma_semaphore, #tpu.memory_space<semaphore_mem>>) src(%dma_wait3A_150 : memref<1024x64xf32, #tpu.memory_space<hbm>>) dst(%dma_wait3A_145 : memref<128x64xf32, #tpu.memory_space<vmem>>)
    %dma_wait3A_151 = arith.constant 384 : i32
    %dma_wait3A_152 = arith.constant 0 : i32
    %dma_wait3A_153 = tpu.memref_slice %arg6[%dma_wait3A_151, %dma_wait3A_152] : memref<576x64xf32, #tpu.memory_space<vmem>> -> memref<128x64xf32, #tpu.memory_space<vmem>>
    %dma_wait3A_154 = arith.constant 384 : i32
    %dma_wait3A_155 = tpu.memref_slice %arg5[%dma_wait3A_154] : memref<576xi32, #tpu.memory_space<vmem>> -> memref<128xi32, #tpu.memory_space<vmem>>
    %dma_wait3A_156 = arith.constant 0 : i32
    %dma_wait3A_157 = arith.constant 0 : i32
    %dma_wait3A_158 = tpu.memref_slice %arg2[%dma_wait3A_156, %dma_wait3A_157] : memref<1024x64xf32, #tpu.memory_space<hbm>> -> memref<1024x64xf32, #tpu.memory_space<hbm>>
    tpu.wait_indirect_dma semaphore(%arg7 : memref<!tpu.dma_semaphore, #tpu.memory_space<semaphore_mem>>) src(%dma_wait3A_158 : memref<1024x64xf32, #tpu.memory_space<hbm>>) dst(%dma_wait3A_153 : memref<128x64xf32, #tpu.memory_space<vmem>>)
    %dma_wait3A_159 = arith.constant 512 : i32
    %dma_wait3A_160 = arith.constant 0 : i32
    %dma_wait3A_161 = tpu.memref_slice %arg6[%dma_wait3A_159, %dma_wait3A_160] : memref<576x64xf32, #tpu.memory_space<vmem>> -> memref<64x64xf32, #tpu.memory_space<vmem>>
    %dma_wait3A_162 = arith.constant 512 : i32
    %dma_wait3A_163 = tpu.memref_slice %arg5[%dma_wait3A_162] : memref<576xi32, #tpu.memory_space<vmem>> -> memref<64xi32, #tpu.memory_space<vmem>>
    %dma_wait3A_164 = arith.constant 0 : i32
    %dma_wait3A_165 = arith.constant 0 : i32
    %dma_wait3A_166 = tpu.memref_slice %arg2[%dma_wait3A_164, %dma_wait3A_165] : memref<1024x64xf32, #tpu.memory_space<hbm>> -> memref<1024x64xf32, #tpu.memory_space<hbm>>
    tpu.wait_indirect_dma semaphore(%arg7 : memref<!tpu.dma_semaphore, #tpu.memory_space<semaphore_mem>>) src(%dma_wait3A_166 : memref<1024x64xf32, #tpu.memory_space<hbm>>) dst(%dma_wait3A_161 : memref<64x64xf32, #tpu.memory_space<vmem>>)
    "tpu.region"() ({
      %run_scoped3A = tpu.sem_alloc : memref<!tpu.dma_semaphore, #tpu.memory_space<semaphore_mem>>
      %dma_start3A_167 = arith.constant 0 : i32
      %dma_start3A_168 = arith.constant 0 : i32
      %dma_start3A_169 = tpu.memref_slice %arg4[%add3A_86, %dma_start3A_167, %dma_start3A_168] : memref<64x576x64xf32, #tpu.memory_space<hbm>> -> memref<1x576x64xf32, #tpu.memory_space<hbm>>
      %dma_start3A_170 = tpu.memref_squeeze %dma_start3A_169 : memref<1x576x64xf32, #tpu.memory_space<hbm>> -> memref<576x64xf32, #tpu.memory_space<hbm>>
      %dma_start3A_171 = arith.constant 0 : i32
      %dma_start3A_172 = arith.constant 0 : i32
      %dma_start3A_173 = tpu.memref_slice %arg4[%add3A_86, %dma_start3A_171, %dma_start3A_172] : memref<64x576x64xf32, #tpu.memory_space<hbm>> -> memref<1x576x64xf32, #tpu.memory_space<hbm>>
      %dma_start3A_174 = tpu.memref_squeeze %dma_start3A_173 : memref<1x576x64xf32, #tpu.memory_space<hbm>> -> memref<576x64xf32, #tpu.memory_space<hbm>>
      tpu.enqueue_dma source(%arg6 : memref<576x64xf32, #tpu.memory_space<vmem>>) target(%dma_start3A_174 : memref<576x64xf32, #tpu.memory_space<hbm>>) target_semaphore(%run_scoped3A : memref<!tpu.dma_semaphore, #tpu.memory_space<semaphore_mem>>)
      %dma_wait3A_175 = arith.constant 0 : i32
      %dma_wait3A_176 = arith.constant 0 : i32
      %dma_wait3A_177 = tpu.memref_slice %arg4[%add3A_86, %dma_wait3A_175, %dma_wait3A_176] : memref<64x576x64xf32, #tpu.memory_space<hbm>> -> memref<1x576x64xf32, #tpu.memory_space<hbm>>
      %dma_wait3A_178 = tpu.memref_squeeze %dma_wait3A_177 : memref<1x576x64xf32, #tpu.memory_space<hbm>> -> memref<576x64xf32, #tpu.memory_space<hbm>>
      %dma_wait3A_179 = arith.constant 0 : i32
      %dma_wait3A_180 = arith.constant 0 : i32
      %dma_wait3A_181 = tpu.memref_slice %arg4[%add3A_86, %dma_wait3A_179, %dma_wait3A_180] : memref<64x576x64xf32, #tpu.memory_space<hbm>> -> memref<1x576x64xf32, #tpu.memory_space<hbm>>
      %dma_wait3A_182 = tpu.memref_squeeze %dma_wait3A_181 : memref<1x576x64xf32, #tpu.memory_space<hbm>> -> memref<576x64xf32, #tpu.memory_space<hbm>>
      tpu.wait_dma2 semaphore(%run_scoped3A : memref<!tpu.dma_semaphore, #tpu.memory_space<semaphore_mem>>) src(%arg6 : memref<576x64xf32, #tpu.memory_space<vmem>>) dst(%dma_wait3A_182 : memref<576x64xf32, #tpu.memory_space<hbm>>)
      tpu.yield
    }) : () -> ()
    return
  }
}

module attributes {stable_mosaic.version = 14 : i64} {
  func.func @_vq_block(%arg0: i32, %arg1: memref<1x576x64xf32, #tpu.memory_space<vmem>>, %arg2: memref<64x1024xf32, #tpu.memory_space<vmem>>, %arg3: memref<576x1024xf32, #tpu.memory_space<vmem>>, %arg4: memref<1x1x576xi32, #tpu.memory_space<vmem>>, %arg5: memref<1x1xf32, #tpu.memory_space<vmem>>, %arg6: memref<1x1024xf32, #tpu.memory_space<vmem>>) attributes {dimension_semantics = [#tpu.dimension_semantics<arbitrary>], iteration_bounds = array<i64: 64>, scalar_prefetch = 0 : i64, scratch_operands = 1 : i64, tpu.core_type = #tpu.core_type<tc>, window_params = [{transform_indices = @transform_0, window_bounds = array<i64: 1, 576, 64>}, {pipeline_mode = #tpu.pipeline_mode<synchronous>, transform_indices = @transform_1, window_bounds = array<i64: 64, 1024>}, {transform_indices = @transform_2, window_bounds = array<i64: 576, 1024>}, {transform_indices = @transform_3, window_bounds = array<i64: 1, 1, 576>}, {pipeline_mode = #tpu.pipeline_mode<synchronous>, transform_indices = @transform_4, window_bounds = array<i64: 1, 1>}]} {
    %get3A = arith.constant 0 : index
    %get3A_0 = arith.constant 0 : index
    %get3A_1 = arith.constant 0 : index
    %get3A_2 = vector.load %arg1[%get3A, %get3A_0, %get3A_1] : memref<1x576x64xf32, #tpu.memory_space<vmem>>, vector<1x576x64xf32>
    %get3A_3 = vector.shape_cast %get3A_2 : vector<1x576x64xf32> to vector<576x64xf32>
    %get3A_4 = arith.constant 0 : index
    %get3A_5 = arith.constant 0 : index
    %get3A_6 = vector.load %arg2[%get3A_4, %get3A_5] : memref<64x1024xf32, #tpu.memory_space<vmem>>, vector<64x1024xf32>
    %eq3A = arith.constant 0 : i32
    %eq3A_7 = arith.cmpi eq, %arg0, %eq3A : i32
    %convert_element_type3A = arith.extui %eq3A_7 : i1 to i32
    %cond3A = arith.constant 0 : i32
    %cond3A_8 = arith.cmpi ne, %convert_element_type3A, %cond3A : i32
    scf.if %cond3A_8 {
      %mul3A_56 = arith.mulf %get3A_6, %get3A_6 : vector<64x1024xf32>
      %reduce_sum3A_57 = arith.constant dense<0.000000e+00> : vector<1024xf32>
      %reduce_sum3A_58 = vector.multi_reduction <add>, %mul3A_56, %reduce_sum3A_57 [0] : vector<64x1024xf32> to vector<1024xf32>
      %broadcast_in_dim3A_59 = vector.shape_cast %reduce_sum3A_58 : vector<1024xf32> to vector<1x1024xf32>
      %swap3A_60 = arith.constant 0 : index
      %swap3A_61 = arith.constant 0 : index
      %swap3A_62 = vector.load %arg6[%swap3A_60, %swap3A_61] : memref<1x1024xf32, #tpu.memory_space<vmem>>, vector<1x1024xf32>
      tpu.vector_store %arg6[%swap3A_60, %swap3A_61], %broadcast_in_dim3A_59 {strides = array<i32>} : memref<1x1024xf32, #tpu.memory_space<vmem>>, vector<1x1024xf32>,
    } else {
    }
    %dot_general3A = arith.constant dense<0.000000e+00> : vector<576x1024xf32>
    %dot_general3A_9 = tpu.matmul %get3A_3, %get3A_6, %dot_general3A {dimension_numbers = #tpu.dot_dimension_numbers<[1], [0], [0], [1], [0, 0, 1, 1], [], []>, transpose_lhs_hint = false} : vector<576x64xf32>, vector<64x1024xf32>, vector<576x1024xf32> -> vector<576x1024xf32>
    %mul3A = arith.mulf %get3A_3, %get3A_3 : vector<576x64xf32>
    %reduce_sum3A = arith.constant dense<0.000000e+00> : vector<576xf32>
    %reduce_sum3A_10 = vector.multi_reduction <add>, %mul3A, %reduce_sum3A [1] : vector<576x64xf32> to vector<576xf32>
    %broadcast_in_dim3A = vector.shape_cast %reduce_sum3A_10 : vector<576xf32> to vector<576x1xf32>
    %get3A_11 = arith.constant 0 : index
    %get3A_12 = arith.constant 0 : index
    %get3A_13 = vector.load %arg6[%get3A_11, %get3A_12] : memref<1x1024xf32, #tpu.memory_space<vmem>>, vector<1x1024xf32>
    %add3A = vector.broadcast %broadcast_in_dim3A : vector<576x1xf32> to vector<576x1024xf32>
    %add3A_14 = vector.broadcast %get3A_13 : vector<1x1024xf32> to vector<576x1024xf32>
    %add3A_15 = arith.addf %add3A, %add3A_14 : vector<576x1024xf32>
    %mul3A_16 = arith.constant 2.000000e+00 : f32
    %mul3A_17 = vector.broadcast %mul3A_16 : f32 to vector<576x1024xf32>
    %mul3A_18 = arith.mulf %mul3A_17, %dot_general3A_9 : vector<576x1024xf32>
    %sub3A = arith.subf %add3A_15, %mul3A_18 : vector<576x1024xf32>
    %div3A = arith.constant 1.000000e+00 : f32
    %div3A_19 = vector.broadcast %div3A : f32 to vector<576x1024xf32>
    %div3A_20 = arith.divf %div3A_19, %sub3A : vector<576x1024xf32>
    %mul3A_21 = arith.mulf %div3A_20, %div3A_20 : vector<576x1024xf32>
    %reduce_sum3A_22 = arith.constant dense<0.000000e+00> : vector<576xf32>
    %reduce_sum3A_23 = vector.multi_reduction <add>, %mul3A_21, %reduce_sum3A_22 [1] : vector<576x1024xf32> to vector<576xf32>
    %broadcast_in_dim3A_24 = vector.shape_cast %reduce_sum3A_23 : vector<576xf32> to vector<576x1xf32>
    %reduce_max3A = arith.constant dense<0xFF800000> : vector<576xf32>
    %reduce_max3A_25 = vector.multi_reduction <maximumf>, %mul3A_21, %reduce_max3A [1] : vector<576x1024xf32> to vector<576xf32>
    %broadcast_in_dim3A_26 = vector.shape_cast %reduce_max3A_25 : vector<576xf32> to vector<576x1xf32>
    %div3A_27 = arith.constant 1.000000e+00 : f32
    %div3A_28 = vector.broadcast %div3A_27 : f32 to vector<576x1xf32>
    %div3A_29 = arith.divf %div3A_28, %broadcast_in_dim3A_24 : vector<576x1xf32>
    %mul3A_30 = vector.broadcast %div3A_29 : vector<576x1xf32> to vector<576x1024xf32>
    %mul3A_31 = arith.mulf %mul3A_21, %mul3A_30 : vector<576x1024xf32>
    %swap3A = arith.constant 0 : index
    %swap3A_32 = arith.constant 0 : index
    %swap3A_33 = vector.load %arg3[%swap3A, %swap3A_32] : memref<576x1024xf32, #tpu.memory_space<vmem>>, vector<576x1024xf32>
    tpu.vector_store %arg3[%swap3A, %swap3A_32], %mul3A_31 {strides = array<i32>} : memref<576x1024xf32, #tpu.memory_space<vmem>>, vector<576x1024xf32>,
    %argmin3A = tpu.reduce_index %sub3A {axis = 1 : i32, kind = #tpu.reduction_kind<arg_min>} : vector<576x1024xf32> -> vector<576xi32>
    %reshape3A = vector.shape_cast %argmin3A : vector<576xi32> to vector<1x1x576xi32>
    %swap3A_34 = arith.constant 0 : index
    %swap3A_35 = arith.constant 0 : index
    %swap3A_36 = arith.constant 0 : index
    %swap3A_37 = vector.load %arg4[%swap3A_34, %swap3A_35, %swap3A_36] : memref<1x1x576xi32, #tpu.memory_space<vmem>>, vector<1x1x576xi32>
    tpu.vector_store %arg4[%swap3A_34, %swap3A_35, %swap3A_36], %reshape3A {strides = array<i32>} : memref<1x1x576xi32, #tpu.memory_space<vmem>>, vector<1x1x576xi32>,
    %rsqrt3A = math.rsqrt %broadcast_in_dim3A_26 : vector<576x1xf32>
    %reduce_sum3A_38 = vector.shape_cast %rsqrt3A : vector<576x1xf32> to vector<1x576x1xf32>
    %reduce_sum3A_39 = arith.constant dense<0.000000e+00> : vector<1xf32>
    %reduce_sum3A_40 = vector.multi_reduction <add>, %reduce_sum3A_38, %reduce_sum3A_39 [1, 2] : vector<1x576x1xf32> to vector<1xf32>
    %reduce_sum3A_41 = vector.shape_cast %reduce_sum3A_40 : vector<1xf32> to vector<1x1x1xf32>
    %reduce_sum3A_42 = vector.extract %reduce_sum3A_41[0, 0, 0] : f32 from vector<1x1x1xf32>
    %reshape3A_43 = vector.broadcast %reduce_sum3A_42 : f32 to vector<1x1xf32>
    %eq3A_44 = arith.constant 0 : i32
    %eq3A_45 = arith.cmpi eq, %arg0, %eq3A_44 : i32
    %convert_element_type3A_46 = arith.extui %eq3A_45 : i1 to i32
    %cond3A_47 = arith.constant 0 : i32
    %cond3A_48 = arith.cmpi ne, %convert_element_type3A_46, %cond3A_47 : i32
    scf.if %cond3A_48 {
      %broadcast_in_dim3A_56 = arith.constant 0.000000e+00 : f32
      %broadcast_in_dim3A_57 = vector.broadcast %broadcast_in_dim3A_56 : f32 to vector<1x1xf32>
      %swap3A_58 = arith.constant 0 : index
      %swap3A_59 = arith.constant 0 : index
      %swap3A_60 = vector.load %arg5[%swap3A_58, %swap3A_59] : memref<1x1xf32, #tpu.memory_space<vmem>>, vector<1x1xf32>
      tpu.vector_store %arg5[%swap3A_58, %swap3A_59], %broadcast_in_dim3A_57 {strides = array<i32>} : memref<1x1xf32, #tpu.memory_space<vmem>>, vector<1x1xf32>,
    } else {
    }
    %get3A_49 = arith.constant 0 : index
    %get3A_50 = arith.constant 0 : index
    %get3A_51 = vector.load %arg5[%get3A_49, %get3A_50] : memref<1x1xf32, #tpu.memory_space<vmem>>, vector<1x1xf32>
    %add3A_52 = arith.addf %get3A_51, %reshape3A_43 : vector<1x1xf32>
    %swap3A_53 = arith.constant 0 : index
    %swap3A_54 = arith.constant 0 : index
    %swap3A_55 = vector.load %arg5[%swap3A_53, %swap3A_54] : memref<1x1xf32, #tpu.memory_space<vmem>>, vector<1x1xf32>
    tpu.vector_store %arg5[%swap3A_53, %swap3A_54], %add3A_52 {strides = array<i32>} : memref<1x1xf32, #tpu.memory_space<vmem>>, vector<1x1xf32>,
    return
  }
  func.func @transform_0(%arg0: i32) -> (i32, i32, i32) {
    %c0_i32 = arith.constant 0 : i32
    %c0_i32_0 = arith.constant 0 : i32
    %c0_i32_1 = arith.constant 0 : i32
    return %arg0, %c0_i32, %c0_i32_0 : i32, i32, i32
  }
  func.func @transform_1(%arg0: i32) -> (i32, i32) {
    %c0_i32 = arith.constant 0 : i32
    %c0_i32_0 = arith.constant 0 : i32
    %c0_i32_1 = arith.constant 0 : i32
    return %c0_i32, %c0_i32_0 : i32, i32
  }
  func.func @transform_2(%arg0: i32) -> (i32, i32) {
    %c0_i32 = arith.constant 0 : i32
    %c0_i32_0 = arith.constant 0 : i32
    return %arg0, %c0_i32 : i32, i32
  }
  func.func @transform_3(%arg0: i32) -> (i32, i32, i32) {
    %c0_i32 = arith.constant 0 : i32
    %c0_i32_0 = arith.constant 0 : i32
    %c0_i32_1 = arith.constant 0 : i32
    return %arg0, %c0_i32, %c0_i32_0 : i32, i32, i32
  }
  func.func @transform_4(%arg0: i32) -> (i32, i32) {
    %c0_i32 = arith.constant 0 : i32
    %c0_i32_0 = arith.constant 0 : i32
    %c0_i32_1 = arith.constant 0 : i32
    return %c0_i32, %c0_i32_0 : i32, i32
  }
}

</mosaic_0001>

<sc_bundles>
// kernel: kernel.4.cloned.1.call-start
scs
__scs_entry_jumppad:
0x0: {  	(pc) =	sbr.rel $0x88, $3  }
0x1: {  	(tag) =	ssettag $0x0;
	lr =	simm.s32 $0x1  }
0x2: {  	[smem:$0x3F9F] =	sst lr;
	_ =	strace $0xD0000000  }
0x3: {  	_ = 	snop  }
0x4: {  	_ = 	snop  }
0x5: {  	_ = 	snop  }
0x6: {  	_ = 	snop  }
0x7: {  	_ = 	snop  }
__scs_overlays_trampoline_lowered:
0x8: {  	[smem:$0x3FAE] =	sst s0  }
0x9: {  	[smem:$0x3FAF] =	sst s1  }
0xa: {  	[smem:$0x3FB0] =	sst s2  }
0xb: {  	[smem:$0x3FB1] =	sst s3  }
0xc: {  	[smem:$0x3FB2] =	sst s4  }
0xd: {  	[smem:$0x3FB3] =	sst s5  }
0xe: {  	[smem:$0x3FB4] =	sst s6  }
0xf: {  	[smem:$0x3FB5] =	sst s7  }
0x10: {  	[smem:$0x3FB6] =	sst s8  }
0x11: {  	[smem:$0x3FB7] =	sst s9;
	s0 =	simm.s32 @!p0 $0x0  }
0x12: {  	s1 =	sld [smem:$0x3F9D];
	s0 =	simm.s32 @p0 $0x1  }
0x13: {  	[smem:$0x3FB8] =	sst s0;
	s0 =	simm.s32 @!p1 $0x0  }
0x14: {  	s2 =	sld [smem:$0x3F9C];
	s0 =	simm.s32 @p1 $0x1  }
0x15: {  	[smem:$0x3FB9] =	sst s0;
	s0 =	simm.s32 @!p2 $0x0  }
0x16: {  	s3 =	sld [smem:$0x3FDB];
	s0 =	simm.s32 @p2 $0x1  }
0x17: {  	s4 =	simm.s32 $0x1BF5;
	[smem:$0x3FBB] =	sst s0  }
0x18: {  	s0 =	sld [smem:$0x3F9E];
	_ =	swait.ge [sflag:s4], $0x0  }
0x19: {  	s7 =	sld [smem:$0x3F9F]  }
0x1a: {  	s8 =	sadd.s32 $0xFFFFE003, lr  }
0x1b: {  	s9 =	sadd.s32 $0xFFFFFEF7, lr;
	s5 =	simm.s32 $0xFFFFFFFF;
	p2 =	slt.u32 s8, $0xFFFFF086  }
0x1c: {  	p1 =	slt.u32 s9, $0xF7A;
	s5 =	simm.s32 @!p2 $0x0  }
0x1d: {  	s5 =	simm.s32 @p1 $0x1;
	p0 =	seq.s32 s7, s2  }
0x1e: {  	s7 =	smul.u32 @!p0 $0xF7A, s2;
	p2 =	seq.s32 @!p0 s5, $0x0  }
0x1f: {  	s9 =	smul.u32 $0xF7A, s1;
	s8 =	simm.s32 @!p0 $0x1BF5;
	p2 =	por !p2, p0  }
0x20: {  	[sflag:s8] =	ssyncset.s32 @!p0 $0xFFFFF086;
	s6 =	sadd.s32 @!p0 s3, s7;
	s7 =	simm.s32 @!p0 $0x108  }
0x21: {  	s3 =	sadd.s32 s3, s9;
	s6 =	sadd.s32 @!p0 $0x88, s6;
	s7 =	simm.s32 @p2 $0x1082  }
0x22: {  	[simem:s7], [sflag:s8] =	dma.local @!p0 [hbm:s6], $0xF7A  }
0x23: {  	s9 =	sor.u32 $0xD0000000, s2;
	s6 =	simm.s32 $0x108;
	_ =	swait.ge @!p0 [sflag:s8], $0x0  }
0x24: {  	s3 =	sadd.s32 $0x88, s3;
	s6 =	simm.s32 @!p1 $0x1082;
	[sflag:s4] =	ssyncset.s32 $0xFFFFF086  }
0x25: {  	[simem:s6], [sflag:s4] =	dma.local [hbm:s3], $0xF7A  }
0x26: {  	[smem:$0x3F9F] =	sst s1;
	(tag) =	ssettag s2;
	_ =	strace s9  }
0x27: {  	s1 =	sld [smem:$0x3FAF]  }
0x28: {  	s2 =	sld [smem:$0x3FB0]  }
0x29: {  	s4 =	sld [smem:$0x3FB2]  }
0x2a: {  	p0 =	seq.s32 s5, $0x0;
	s5 =	sld [smem:$0x3FB3]  }
0x2b: {  	s6 =	sld [smem:$0x3FB4]  }
0x2c: {  	s7 =	sld [smem:$0x3FB5]  }
0x2d: {  	s3 =	simm.s32 $0x108;
	s8 =	sld [smem:$0x3FB6]  }
0x2e: {  	s3 =	simm.s32 @!p0 $0x1082;
	s9 =	sld [smem:$0x3FB7]  }
0x2f: {  	lr =	sadd.s32 s0, s3;
	s0 =	sld [smem:$0x3FAE]  }
0x30: {  	s3 =	sld [smem:$0x3FB1]  }
0x31: {  	[smem:$0x3FBA] =	sst s10  }
0x32: {  	s10 =	sld [smem:$0x3FB8];
	_ =	sdelay $0x3  }
0x33: {  	p0 =	seq.s32 s10, $0x1;
	s10 =	sld [smem:$0x3FBA];
	_ =	sdelay $0x3  }
0x34: {  	[smem:$0x3FBA] =	sst s10  }
0x35: {  	s10 =	sld [smem:$0x3FB9];
	_ =	sdelay $0x3  }
0x36: {  	p1 =	seq.s32 s10, $0x1;
	s10 =	sld [smem:$0x3FBA];
	_ =	sdelay $0x3  }
0x37: {  	[smem:$0x3FBA] =	sst s10  }
0x38: {  	s10 =	sld [smem:$0x3FBB]  }
0x39: {  	_ = 	snop;
	(pc) =	sbr.ind lr, $3  }
0x3a: {  	_ = 	snop  }
0x3b: {  	_ = 	snop  }
0x3c: {  	p2 =	seq.s32 s10, $0x1;
	s10 =	sld [smem:$0x3FBA]  }
0x3d: {  	_ =	shalt  }
0x3e: {  	_ =	shalt  }
0x3f: {  	_ =	shalt  }
0x40: {  	_ =	shalt  }
0x41: {  	_ =	shalt  }
0x42: {  	_ =	shalt  }
0x43: {  	_ =	shalt  }
0x44: {  	_ =	shalt  }
0x45: {  	_ =	shalt  }
0x46: {  	_ =	shalt  }
0x47: {  	_ =	shalt  }
0x48: {  	_ =	shalt  }
0x49: {  	_ =	shalt  }
0x4a: {  	_ =	shalt  }
0x4b: {  	_ =	shalt  }
0x4c: {  	_ =	shalt  }
0x4d: {  	_ =	shalt  }
0x4e: {  	_ =	shalt  }
0x4f: {  	_ =	shalt  }
0x50: {  	_ =	shalt  }
0x51: {  	_ =	shalt  }
0x52: {  	_ =	shalt  }
0x53: {  	_ =	shalt  }
0x54: {  	_ =	shalt  }
0x55: {  	_ =	shalt  }
0x56: {  	_ =	shalt  }
0x57: {  	_ =	shalt  }
0x58: {  	_ =	shalt  }
0x59: {  	_ =	shalt  }
0x5a: {  	_ =	shalt  }
0x5b: {  	_ =	shalt  }
0x5c: {  	_ =	shalt  }
0x5d: {  	_ =	shalt  }
0x5e: {  	_ =	shalt  }
0x5f: {  	_ =	shalt  }
0x60: {  	_ =	shalt  }
0x61: {  	_ =	shalt  }
0x62: {  	_ =	shalt  }
0x63: {  	_ =	shalt  }
0x64: {  	_ =	shalt  }
0x65: {  	_ =	shalt  }
0x66: {  	_ =	shalt  }
0x67: {  	_ =	shalt  }
0x68: {  	_ =	shalt  }
0x69: {  	_ =	shalt  }
0x6a: {  	_ =	shalt  }
0x6b: {  	_ =	shalt  }
0x6c: {  	_ =	shalt  }
0x6d: {  	_ =	shalt  }
0x6e: {  	_ =	shalt  }
0x6f: {  	_ =	shalt  }
0x70: {  	_ =	shalt  }
0x71: {  	_ =	shalt  }
0x72: {  	_ =	shalt  }
0x73: {  	_ =	shalt  }
0x74: {  	_ =	shalt  }
0x75: {  	_ =	shalt  }
0x76: {  	_ =	shalt  }
0x77: {  	_ =	shalt  }
0x78: {  	_ =	shalt  }
0x79: {  	_ =	shalt  }
0x7a: {  	_ =	shalt  }
0x7b: {  	_ =	shalt  }
0x7c: {  	_ =	shalt  }
0x7d: {  	_ =	shalt  }
0x7e: {  	_ =	shalt  }
0x7f: {  	_ =	shalt  }
0x80: {  	_ =	shalt  }
0x81: {  	_ =	shalt  }
0x82: {  	_ =	shalt  }
0x83: {  	_ =	shalt  }
0x84: {  	_ =	shalt  }
0x85: {  	_ =	shalt  }
0x86: {  	_ =	shalt  }
0x87: {  	_ =	shalt  }
.Lfunc_end0:
.L_simem_size_0:
called_computation_lowered:
.L_overlay_start_0:
0x88: {  	s2 =	sld [smem:$0x3FD9]  }
0x89: {  	s3 =	sld [smem:$0x3FFE];
	_ =	sdelay $0x1  }
0x8a: {  	s1 =	srdreg.scid  }
0x8b: {  	s0 =	sand.u32 $0x1, s1  }
0x8c: {  	s14 =	sshll.u32 s0, $0xA;
	s2 =	sadd.s32 s3, s2  }
0x8d: {  	s2 =	sadd.s32 s2, s14  }
0x8e: {  	[smem:$0x3FC6] =	sst s2  }
0x8f: {  	_ = 	snop  }
0x90: {  	s2 =	sld [smem:$0x3FD0];
	_ =	sdelay $0x2  }
0x91: {  	s15 =	simm.s32 $0xA;
	s4 =	simm.s32 $0x10  }
0x92: {  	[smem:s4], [sflag:s15] =	dma.local [hbm:s2], $0x1  }
0x93: {  	_ =	swait.eq [sflag:s15], $0x1  }
0x94: {  	[sflag:s15] =	ssyncset.done $0x0  }
0x95: {  	[sflag:s15] =	ssyncadd.s32 $0xFFFFFFFF  }
0x96: {  	s16 =	sld [smem:$0x10];
	(tm) =	ssettm $0x1  }
0x97: {  	s17 =	sld [smem:$0x3FFB];
	_ =	sdelay $0x3  }
0x98: {  	_ =	strace s17  }
0x99: {  	s3 =	sld [smem:$0x3FFC];
	_ =	sdelay $0x3  }
0x9a: {  	_ =	strace s3  }
0x9b: {  	s3 =	sld [smem:$0x3FFD];
	_ =	sdelay $0x3  }
0x9c: {  	_ =	strace s3  }
0x9d: {  	_ =	strace $0x8FFFFFFF  }
0x9e: {  	s18 =	sld [smem:$0x3FDB];
	_ =	sdelay $0x1  }
0x9f: {  	s19 =	simm.s32 $_scs_section_size  }
0xa0: {  	s5 =	simm.s32 $_size__tile_overlayer_lowered;
	s6 =	simm.s32 $_tile_overlayer_lowered  }
0xa1: {  	s22 =	simm.s32 $0x1BFF;
	s21 =	sshll.u32 s6, $0x1;
	s3 =	sadd.s32 s19, s18  }
0xa2: {  	s7 =	simm.s32 $0x0;
	s20 =	sshll.u32 s5, $0x1;
	s5 =	sadd.s32 s21, s3  }
0xa3: {  	[timem:s7], [sflag:s22] =	dma.local [hbm:s5], s20  }
0xa4: {  	_ =	swait.ge [sflag:s22], s20  }
0xa5: {  	s4 =	ssub.s32 $0x0, s20;
	[sflag:s22] =	ssyncset.done $0x0  }
0xa6: {  	[sflag:s22] =	ssyncadd.s32 s4;
	_ =	sdelay $0x1  }
0xa7: {  	s23 =	simm.s32 $0x1B8B  }
0xa8: {  	_ =	swait.ge [sflag:s23], $0x1  }
0xa9: {  	[sflag:s23] =	ssyncset.done $0x0  }
0xaa: {  	s25 =	simm.s32 $0x1B8E;
	s24 =	sld [smem:$0x3FFE];
	[sflag:s23] =	ssyncadd.s32 $0xFFFFFFFF  }
0xab: {  	s26 =	simm.s32 $execute0_lowered;
	[smem:$0x3FD2] =	sst s25  }
0xac: {  	s5 =	sshll.u32 s26, $0x1;
	_ =	strace $0x80000046;
	[dreg:$0x1] =	wrdreg $0xFFFFFFFF  }
0xad: {  	s28 =	simm.s32 $_size_execute0_lowered;
	s3 =	sadd.s32 s3, s5;
	[dreg:$0x0] =	wrdreg $0x0  }
0xae: {  	s5 =	sshll.u32 s28, $0x1;
	[dreg:$0x2] =	wrdreg s3  }
0xaf: {  	[dreg:$0x3] =	wrdreg s5  }
0xb0: {  	[dreg:$0x4] =	wrdreg $0xC0  }
0xb1: {  	_ =	task [dreg:s7], $0x5FFFF  }
0xb2: {  	[dreg:$0x1] =	wrdreg $0xFFFFFFFF  }
0xb3: {  	[dreg:$0x0] =	wrdreg $0x60  }
0xb4: {  	[dreg:$0x2] =	wrdreg s24  }
0xb5: {  	[dreg:$0x3] =	wrdreg s16  }
0xb6: {  	[dreg:$0x4] =	wrdreg $0x9  }
0xb7: {  	_ =	task.clear_ibuf [dreg:s7], $0x5FFFF;
	_ =	strace $0x90000046  }
0xb8: {  	s29 =	simm.s32 $0x9;
	_ =	strace $0x80000048  }
0xb9: {  	_ =	swait.ge [sflag:s29], $0x1  }
0xba: {  	[sflag:s29] =	ssyncadd.s32 $0xFFFFFFFF  }
0xbb: {  	_ =	strace $0x90000048  }
0xbc: {  	_ =	sfence  }
0xbd: {  	s30 =	sld [smem:$0x0];
	_ =	sdelay $0x2  }
0xbe: {  	s31 =	sshll.u32 s1, $0xD;
	s1 =	sshrl.u32 s1, $0x2  }
0xbf: {  	s3 =	sand.u32 $0x4000, s31;
	s1 =	sadd.s32 s1, s30  }
0xc0: {  	s0 =	sor.u32 s3, s0;
	s1 =	sshll.u32 s1, $0x11  }
0xc1: {  	s0 =	sor.u32 s1, s0  }
0xc2: {  	s0 =	sadd.s32 $0x8F2B, s0  }
0xc3: {  	[sflag:s0] =	ssyncadd.remote.s32 $0x1  }
0xc4: {  	_ =	sfence.sel $0xFFFF  }
0xc5: {  	[dreg:$0x0] =	wrdreg $0xFFFFFFFF;
	(pc) =	sbr.abs _section_cstart, $3  }
0xc6: {  	[dreg:$0x1] =	wrdreg $0xFFFFFFFF  }
0xc7: {  	_ =	task.clear_ibuf [dreg:s7], $0x2FFFF;
	_ =	strace $0x9FFFFFFF  }
0xc8: {  	(tm) =	ssettm $0x7FFFFFFF  }
0xc9: {  	_ =	shalt  }
tec
execute0_lowered:
.L_overlay_start_1:
0x0: {  	(tag) =	ssettag $0x1  }
0x1: {  	s1 =	srdreg.scid  }
0x2: {  	s0 =	stileid.u32;
	s20 =	sand.u32 $0x1, s1  }
0x3: {  	s5 =	rddreg [dreg:$0x0];
	s30 =	sshll.u32 s0, $0x2;
	s2 =	sshll.u32 s20, $0x1  }
0x4: {  	s19 =	rddreg [dreg:$0x1];
	s18 =	sor.u32 s2, s30  }
0x5: {  	s1 =	rddreg [dreg:$0x2];
	s2 =	simm.s32 $0x0;
	s3 =	smul.u32 $0x48, s18  }
0x6: {  	s21 =	sadd.s32 $0x2400, s5;
	[smem:$0x7FF] =	sst s2  }
0x7: {  	_ =	strace $0x80000047;
	s4 =	sadd.s32 s21, s3;
	s3 =	simm.s32 $0x2  }
0x8: {  	[tilespmem:s2], [sflag:$0x2] =	stream.linear.gather [hbm4b:s4+s2], $0x240, $0x38;
	[tilespmem:$0x9240] =	vst v63  }
0x9: {  	_ =	swait.ge [sflag:s3], $0x240  }
0xa: {  	s6 =	simm.s32 $0x80;
	[sflag:s3] =	ssyncset.done $0x0  }
0xb: {  	s7 =	simm.s32 $0x240;
	s5 =	sadd.s32 $0x400, s5;
	[sflag:s3] =	ssyncadd.s32 $0xFFFFFDC0  }
0xc: {  	[tilespmem:s7], [sflag:$0x1] =	stream.indirect.gather [hbm4b:s5+s6], $0x40, s2, s6, $0xb8;
	[tilespmem:$0x9240] =	vst v63  }
0xd: {  	s8 =	simm.s32 $0x2240  }
0xe: {  	[tilespmem:s8], [sflag:$0x1] =	stream.indirect.gather [hbm4b:s5+s6], $0x40, s6, s6, $0xb8;
	[tilespmem:$0x9240] =	vst v63  }
0xf: {  	s9 =	simm.s32 $0x100;
	s10 =	simm.s32 $0x4240  }
0x10: {  	[tilespmem:s10], [sflag:$0x1] =	stream.indirect.gather [hbm4b:s5+s6], $0x40, s9, s6, $0xb8;
	[tilespmem:$0x9240] =	vst v63  }
0x11: {  	s11 =	simm.s32 $0x180;
	s12 =	simm.s32 $0x6240;
	s13 =	simm.s32 $0x40  }
0x12: {  	[tilespmem:s12], [sflag:$0x1] =	stream.indirect.gather [hbm4b:s5+s6], $0x40, s11, s6, $0xb8;
	[tilespmem:$0x9240] =	vst v63  }
0x13: {  	s14 =	simm.s32 $0x200;
	s15 =	simm.s32 $0x8240;
	s16 =	simm.s32 $0x1  }
0x14: {  	[tilespmem:s15], [sflag:$0x1] =	stream.indirect.gather [hbm4b:s5+s13], $0x40, s14, s13, $0xb8;
	[tilespmem:$0x9240] =	vst v63  }
0x15: {  	_ =	swait.ge [sflag:s16], $0x2000  }
0x16: {  	[sflag:s16] =	ssyncset.done $0x0  }
0x17: {  	[sflag:s16] =	ssyncadd.s32 $0xFFFFE000  }
0x18: {  	_ =	swait.ge [sflag:s16], $0x2000  }
0x19: {  	[sflag:s16] =	ssyncset.done $0x0  }
0x1a: {  	[sflag:s16] =	ssyncadd.s32 $0xFFFFE000  }
0x1b: {  	_ =	swait.ge [sflag:s16], $0x2000  }
0x1c: {  	[sflag:s16] =	ssyncset.done $0x0  }
0x1d: {  	[sflag:s16] =	ssyncadd.s32 $0xFFFFE000  }
0x1e: {  	_ =	swait.ge [sflag:s16], $0x2000  }
0x1f: {  	[sflag:s16] =	ssyncset.done $0x0  }
0x20: {  	[sflag:s16] =	ssyncadd.s32 $0xFFFFE000  }
0x21: {  	s17 =	smul.u32 $0x1200, s18;
	_ =	swait.ge [sflag:s16], $0x1000  }
0x22: {  	[sflag:s16] =	ssyncset.done $0x0  }
0x23: {  	s22 =	sor.u32 $0x1, s18;
	s17 =	sadd.s32 s19, s17;
	[sflag:s16] =	ssyncadd.s32 $0xFFFFF000  }
0x24: {  	[hbm4b:s17+s2] =	stream.linear.scatter [tilespmem:s7], [sflag:$0x2], $0x9000, $0x38;
	[tilespmem:$0x9240] =	vst v63  }
0x25: {  	s18 =	smul.u32 $0x48, s22;
	_ =	swait.ge [sflag:s3], $0x9000  }
0x26: {  	[sflag:s3] =	ssyncset.done $0x0  }
0x27: {  	s18 =	sadd.s32 s21, s18;
	[sflag:s3] =	ssyncadd.s32 $0xFFFF7000  }
0x28: {  	[tilespmem:s2], [sflag:$0x2] =	stream.linear.gather [hbm4b:s18+s2], $0x240, $0x38;
	[tilespmem:$0x9240] =	vst v63  }
0x29: {  	_ =	swait.ge [sflag:s3], $0x240  }
0x2a: {  	[sflag:s3] =	ssyncset.done $0x0  }
0x2b: {  	[sflag:s3] =	ssyncadd.s32 $0xFFFFFDC0  }
0x2c: {  	[tilespmem:s7], [sflag:$0x1] =	stream.indirect.gather [hbm4b:s5+s6], $0x40, s2, s6, $0xb8;
	[tilespmem:$0x9240] =	vst v63  }
0x2d: {  	_ = 	snop  }
0x2e: {  	[tilespmem:s8], [sflag:$0x1] =	stream.indirect.gather [hbm4b:s5+s6], $0x40, s6, s6, $0xb8;
	[tilespmem:$0x9240] =	vst v63  }
0x2f: {  	_ = 	snop  }
0x30: {  	[tilespmem:s10], [sflag:$0x1] =	stream.indirect.gather [hbm4b:s5+s6], $0x40, s9, s6, $0xb8;
	[tilespmem:$0x9240] =	vst v63  }
0x31: {  	_ = 	snop  }
0x32: {  	[tilespmem:s12], [sflag:$0x1] =	stream.indirect.gather [hbm4b:s5+s6], $0x40, s11, s6, $0xb8;
	[tilespmem:$0x9240] =	vst v63  }
0x33: {  	_ = 	snop  }
0x34: {  	[tilespmem:s15], [sflag:$0x1] =	stream.indirect.gather [hbm4b:s5+s13], $0x40, s14, s13, $0xb8;
	[tilespmem:$0x9240] =	vst v63  }
0x35: {  	_ =	swait.ge [sflag:s16], $0x2000  }
0x36: {  	[sflag:s16] =	ssyncset.done $0x0  }
0x37: {  	[sflag:s16] =	ssyncadd.s32 $0xFFFFE000  }
0x38: {  	_ =	swait.ge [sflag:s16], $0x2000  }
0x39: {  	[sflag:s16] =	ssyncset.done $0x0  }
0x3a: {  	[sflag:s16] =	ssyncadd.s32 $0xFFFFE000  }
0x3b: {  	_ =	swait.ge [sflag:s16], $0x2000  }
0x3c: {  	[sflag:s16] =	ssyncset.done $0x0  }
0x3d: {  	s20 =	ssub.s32 $0x2, s20;
	[sflag:s16] =	ssyncadd.s32 $0xFFFFE000  }
0x3e: {  	s31 =	sshrl.u32 s20, $0x1;
	_ =	swait.ge [sflag:s16], $0x2000  }
0x3f: {  	s20 =	ssub.s32 s20, s31;
	[sflag:s16] =	ssyncset.done $0x0  }
0x40: {  	s20 =	smax.u32 s20, $0x1;
	[sflag:s16] =	ssyncadd.s32 $0xFFFFE000  }
0x41: {  	s22 =	smul.u32 $0x1200, s22;
	p0 =	sne.s32 s20, $0x1;
	_ =	swait.ge [sflag:s16], $0x1000  }
.Ltmp0:
0x42: {  	[sflag:s16] =	ssyncset.done $0x0;
	(pc) =	sbr.rel @!p0 .LBB2_2-.Ltmp0, $4  }
0x43: {  	s19 =	sadd.s32 s19, s22;
	[sflag:s16] =	ssyncadd.s32 $0xFFFFF000  }
0x44: {  	[hbm4b:s19+s2] =	stream.linear.scatter [tilespmem:s7], [sflag:$0x2], $0x9000, $0x38;
	[tilespmem:$0x9240] =	vst v63  }
0x45: {  	_ =	swait.ge [sflag:s3], $0x9000  }
0x46: {  	s20 =	sadd.s32 $0xFFFFFFFF, s20;
	[sflag:s3] =	ssyncset.done $0x0  }
.LBB2_1:
0x47: {  	p0 =	sne.s32 s20, $0x1;
	s20 =	sadd.s32 $0xFFFFFFFF, s20;
	[sflag:s3] =	ssyncadd.s32 $0xFFFF7000  }
0x48: {  	[tilespmem:s2], [sflag:$0x2] =	stream.linear.gather [hbm4b:s4+s2], $0x240, $0x38;
	[tilespmem:$0x9240] =	vst v63  }
0x49: {  	_ =	swait.ge [sflag:s3], $0x240  }
0x4a: {  	[sflag:s3] =	ssyncset.done $0x0  }
0x4b: {  	[sflag:s3] =	ssyncadd.s32 $0xFFFFFDC0  }
0x4c: {  	[tilespmem:s7], [sflag:$0x1] =	stream.indirect.gather [hbm4b:s5+s6], $0x40, s2, s6, $0xb8;
	[tilespmem:$0x9240] =	vst v63  }
0x4d: {  	_ = 	snop  }
0x4e: {  	[tilespmem:s8], [sflag:$0x1] =	stream.indirect.gather [hbm4b:s5+s6], $0x40, s6, s6, $0xb8;
	[tilespmem:$0x9240] =	vst v63  }
0x4f: {  	_ = 	snop  }
0x50: {  	[tilespmem:s10], [sflag:$0x1] =	stream.indirect.gather [hbm4b:s5+s6], $0x40, s9, s6, $0xb8;
	[tilespmem:$0x9240] =	vst v63  }
0x51: {  	_ = 	snop  }
0x52: {  	[tilespmem:s12], [sflag:$0x1] =	stream.indirect.gather [hbm4b:s5+s6], $0x40, s11, s6, $0xb8;
	[tilespmem:$0x9240] =	vst v63  }
0x53: {  	_ = 	snop  }
0x54: {  	[tilespmem:s15], [sflag:$0x1] =	stream.indirect.gather [hbm4b:s5+s13], $0x40, s14, s13, $0xb8;
	[tilespmem:$0x9240] =	vst v63  }
0x55: {  	_ =	swait.ge [sflag:s16], $0x2000  }
0x56: {  	[sflag:s16] =	ssyncset.done $0x0  }
0x57: {  	[sflag:s16] =	ssyncadd.s32 $0xFFFFE000  }
0x58: {  	_ =	swait.ge [sflag:s16], $0x2000  }
0x59: {  	[sflag:s16] =	ssyncset.done $0x0  }
0x5a: {  	[sflag:s16] =	ssyncadd.s32 $0xFFFFE000  }
0x5b: {  	_ =	swait.ge [sflag:s16], $0x2000  }
0x5c: {  	[sflag:s16] =	ssyncset.done $0x0  }
0x5d: {  	[sflag:s16] =	ssyncadd.s32 $0xFFFFE000  }
0x5e: {  	_ =	swait.ge [sflag:s16], $0x2000  }
0x5f: {  	[sflag:s16] =	ssyncset.done $0x0  }
0x60: {  	[sflag:s16] =	ssyncadd.s32 $0xFFFFE000  }
0x61: {  	_ =	swait.ge [sflag:s16], $0x1000  }
0x62: {  	[sflag:s16] =	ssyncset.done $0x0  }
0x63: {  	[sflag:s16] =	ssyncadd.s32 $0xFFFFF000  }
0x64: {  	[hbm4b:s17+s2] =	stream.linear.scatter [tilespmem:s7], [sflag:$0x2], $0x9000, $0x38;
	[tilespmem:$0x9240] =	vst v63  }
0x65: {  	_ =	swait.ge [sflag:s3], $0x9000  }
0x66: {  	[sflag:s3] =	ssyncset.done $0x0  }
0x67: {  	[sflag:s3] =	ssyncadd.s32 $0xFFFF7000  }
0x68: {  	[tilespmem:s2], [sflag:$0x2] =	stream.linear.gather [hbm4b:s18+s2], $0x240, $0x38;
	[tilespmem:$0x9240] =	vst v63  }
0x69: {  	_ =	swait.ge [sflag:s3], $0x240  }
0x6a: {  	[sflag:s3] =	ssyncset.done $0x0  }
0x6b: {  	[sflag:s3] =	ssyncadd.s32 $0xFFFFFDC0  }
0x6c: {  	[tilespmem:s7], [sflag:$0x1] =	stream.indirect.gather [hbm4b:s5+s6], $0x40, s2, s6, $0xb8;
	[tilespmem:$0x9240] =	vst v63  }
0x6d: {  	_ = 	snop  }
0x6e: {  	[tilespmem:s8], [sflag:$0x1] =	stream.indirect.gather [hbm4b:s5+s6], $0x40, s6, s6, $0xb8;
	[tilespmem:$0x9240] =	vst v63  }
0x6f: {  	_ = 	snop  }
0x70: {  	[tilespmem:s10], [sflag:$0x1] =	stream.indirect.gather [hbm4b:s5+s6], $0x40, s9, s6, $0xb8;
	[tilespmem:$0x9240] =	vst v63  }
0x71: {  	_ = 	snop  }
0x72: {  	[tilespmem:s12], [sflag:$0x1] =	stream.indirect.gather [hbm4b:s5+s6], $0x40, s11, s6, $0xb8;
	[tilespmem:$0x9240] =	vst v63  }
0x73: {  	_ = 	snop  }
0x74: {  	[tilespmem:s15], [sflag:$0x1] =	stream.indirect.gather [hbm4b:s5+s13], $0x40, s14, s13, $0xb8;
	[tilespmem:$0x9240] =	vst v63  }
0x75: {  	_ =	swait.ge [sflag:s16], $0x2000  }
0x76: {  	[sflag:s16] =	ssyncset.done $0x0  }
0x77: {  	[sflag:s16] =	ssyncadd.s32 $0xFFFFE000  }
0x78: {  	_ =	swait.ge [sflag:s16], $0x2000  }
0x79: {  	[sflag:s16] =	ssyncset.done $0x0  }
0x7a: {  	[sflag:s16] =	ssyncadd.s32 $0xFFFFE000  }
0x7b: {  	_ =	swait.ge [sflag:s16], $0x2000  }
0x7c: {  	[sflag:s16] =	ssyncset.done $0x0  }
0x7d: {  	[sflag:s16] =	ssyncadd.s32 $0xFFFFE000  }
0x7e: {  	_ =	swait.ge [sflag:s16], $0x2000  }
0x7f: {  	[sflag:s16] =	ssyncset.done $0x0  }
0x80: {  	[sflag:s16] =	ssyncadd.s32 $0xFFFFE000  }
0x81: {  	_ =	swait.ge [sflag:s16], $0x1000  }
.Ltmp1:
0x82: {  	[sflag:s16] =	ssyncset.done $0x0;
	(pc) =	sbr.rel @p0 .LBB2_1-.Ltmp1, $4  }
0x83: {  	[sflag:s16] =	ssyncadd.s32 $0xFFFFF000  }
0x84: {  	[hbm4b:s19+s2] =	stream.linear.scatter [tilespmem:s7], [sflag:$0x2], $0x9000, $0x38;
	[tilespmem:$0x9240] =	vst v63  }
0x85: {  	_ =	swait.ge [sflag:s3], $0x9000  }
0x86: {  	[sflag:s3] =	ssyncset.done $0x0  }
.LBB2_2:
0x87: {  	[sflag:s3] =	ssyncadd.s32 $0xFFFF7000  }
0x88: {  	_ =	sfence.sel $0x180000  }
0x89: {  	[bflag:$0x0] =	sbarrier.arrive $0xFFFF  }
0x8a: {  	p0 =	sne.s32 s0, $0x0;
	_ =	strace $0x90000047  }
0x8b: {  	s0 =	sadd.s32 @!p0 $0x100000, s1;
	[bflag:$0x2] =	sbarrier.arrive $0xFFFF  }
0x8c: {  	[sflag:s0] =	ssyncadd.tile.s32 @!p0 $0x1;
	_ =	shalt  }
.Lfunc_end2:
_tile_overlayer_lowered:
.L_overlay_start_2:
0x8d: {  	(tag) =	ssettag $0x2  }
0x8e: {  	s0 =	rddreg [dreg:$0x0];
	s2 =	stileid.u32  }
0x8f: {  	s1 =	rddreg [dreg:$0x1];
	p0 =	sne.s32 s2, $0x0  }
0x90: {  	s3 =	rddreg [dreg:$0x2];
	[bflag:$0x3] =	sbarrier.arrive $0xFFFF;
	s2 =	simm.s32 @!p0 $0x1C02  }
0x91: {  	[timem:s3], [sflag:s2] =	dma.local @!p0 [hbm:s0], s1  }
0x92: {  	s0 =	simm.s32 @!p0 $0x2  }
0x93: {  	_ =	swait.ge @!p0 [sflag:s0], s1  }
0x94: {  	s1 =	ssub.s32 @!p0 $0x0, s1;
	[sflag:s0] =	ssyncset.done @!p0 $0x0  }
0x95: {  	[sflag:s0] =	ssyncadd.s32 @!p0 s1  }
0x96: {  	[bflag:$0x3] =	sbarrier.arrive $0xFFFF  }
0x97: {  	_ =	shalt  }

</sc_bundles>
